<compile_context>
chip_gen: v7x
topology: tpu7x:2x2x1
jax: 0.10.2.dev20260603
libtpu: 0.0.44.dev20260713+nightly
codegen_flags: <defaults>
</compile_context>

<pallas_src>
import functools

import jax
import jax.numpy as jnp
from jax import lax
from jax.experimental import pallas as pl
from jax.experimental.pallas import tpu as pltpu
from jax.experimental.pallas import tpu_sc as plsc

N = 10000
E = 320000
D = 128

NC = 2
NS = 16
NW = NC * NS

EDGES_PER_W = E // NW
CHUNK = 152
NCHUNKS = -(-EDGES_PER_W // CHUNK)
SELF_PER_W = 320
NBUF = 4
PREF = 2


def _mlp_body(x_ref, w1_ref, b1_ref, w2_ref, b2_ref, o_ref):
    w1c = w1_ref[:, :D] + w1_ref[:, D:]
    h = lax.dot_general(x_ref[...], w1c, (((1,), (1,)), ((), ())),
                        preferred_element_type=jnp.float32)
    h = jnp.maximum(h + b1_ref[...], 0.0)
    o = lax.dot_general(h, w2_ref[...], (((1,), (1,)), ((), ())),
                        preferred_element_type=jnp.float32)
    o_ref[...] = jnp.maximum(o + b2_ref[...], 0.0)


def _node_mlp(x, w1, b1, w2, b2):
    blk = 2000
    grid = N // blk
    return pl.pallas_call(
        _mlp_body,
        grid=(grid,),
        in_specs=[
            pl.BlockSpec((blk, D), lambda i: (i, 0)),
            pl.BlockSpec((D, 2 * D), lambda i: (0, 0)),
            pl.BlockSpec((1, D), lambda i: (0, 0)),
            pl.BlockSpec((D, D), lambda i: (0, 0)),
            pl.BlockSpec((1, D), lambda i: (0, 0)),
        ],
        out_specs=pl.BlockSpec((blk, D), lambda i: (i, 0)),
        out_shape=jax.ShapeDtypeStruct((N, D), jnp.float32),
    )(x, w1, b1.reshape(1, D), w2, b2.reshape(1, D))


def _sc_gather(y, idx3):
    mesh = plsc.VectorSubcoreMesh(core_axis_name="c", subcore_axis_name="s")

    @functools.partial(
        pl.kernel,
        mesh=mesh,
        out_type=jax.ShapeDtypeStruct((N + E, D), jnp.float32),
        scratch_types=(
            [pltpu.VMEM((EDGES_PER_W,), jnp.int32)]
            + [pltpu.VMEM((CHUNK, D), jnp.float32) for _ in range(NBUF)]
            + [pltpu.VMEM((SELF_PER_W, D), jnp.float32)]
            + [pltpu.SemaphoreType.DMA for _ in range(2 * NBUF + 1)]
        ),
    )
    def gather_kernel(y_hbm, idx_hbm, out_hbm, idx_v, *scratch):
        rows = scratch[:NBUF]
        self_v = scratch[NBUF]
        gsem = scratch[NBUF + 1:2 * NBUF + 1]
        wsem = scratch[2 * NBUF + 1:3 * NBUF + 1]
        ssem = scratch[3 * NBUF + 1]
        wid = lax.axis_index("s") * NC + lax.axis_index("c")

        base = jnp.minimum(wid * SELF_PER_W, N - SELF_PER_W)
        pltpu.async_copy(y_hbm.at[pl.ds(base, SELF_PER_W)], self_v, ssem)

        pltpu.sync_copy(idx_hbm.at[wid], idx_v)

        dst0 = N + wid * EDGES_PER_W

        def chunk_off(j):
            return jnp.minimum(j * CHUNK, EDGES_PER_W - CHUNK)

        def idx_at(j):
            return idx_v.at[pl.ds(chunk_off(j), CHUNK)]

        def out_at(j):
            return out_hbm.at[pl.ds(dst0 + chunk_off(j), CHUNK)]

        for jj in range(PREF):
            pltpu.async_copy(y_hbm.at[idx_at(jj)], rows[jj], gsem[jj])

        pltpu.make_async_copy(
            y_hbm.at[pl.ds(base, SELF_PER_W)], self_v, ssem).wait()
        pltpu.async_copy(self_v, out_hbm.at[pl.ds(base, SELF_PER_W)], ssem)

        def step(j, carry):
            for b in range(NBUF):
                @pl.when(lax.rem(j, NBUF) == b)
                def _():
                    nb = (b + PREF) % NBUF
                    @pl.when(j + PREF >= NBUF)
                    def _():
                        pltpu.make_async_copy(
                            rows[nb], out_at(j + PREF - NBUF),
                            wsem[nb]).wait()
                    @pl.when(j + PREF < NCHUNKS)
                    def _():
                        pltpu.async_copy(
                            y_hbm.at[idx_at(j + PREF)], rows[nb],
                            gsem[nb])
                    pltpu.make_async_copy(
                        y_hbm.at[idx_at(j)], rows[b], gsem[b]).wait()
                    pltpu.async_copy(rows[b], out_at(j), wsem[b])
            return carry

        lax.fori_loop(0, NCHUNKS, step, 0)
        for j in range(NCHUNKS - (NBUF - PREF), NCHUNKS):
            pltpu.make_async_copy(rows[j % NBUF], out_at(j),
                                  wsem[j % NBUF]).wait()
        pltpu.make_async_copy(
            self_v, out_hbm.at[pl.ds(base, SELF_PER_W)], ssem).wait()

    return gather_kernel(y, idx3)


def kernel(x, edge_index, W1, b1, W2, b2):
    y = _node_mlp(x, W1, b1, W2, b2)
    return _sc_gather(y, edge_index[0].reshape(NW, EDGES_PER_W))

# --- scband reference (transcript-rebuilt; emitter-appended) ---
"""Pipeline reference for scband-convolutional-layer-44933947850816 (READ-ONLY COPY).

The authoritative reference and input builder live on the scoring server;
editing this copy changes nothing except your own understanding.
"""

import jax, jax.numpy as jnp
import numpy as np

N = 10000
E = 320000
D_IN = 128
D_OUT = 128


def setup_inputs(seed: int = 0) -> dict:
    key = jax.random.key(seed)
    k0, k1, k2, k3, k4, k5 = jax.random.split(key, 6)
    x = jax.random.normal(k0, (N, D_IN), dtype=jnp.float32)
    edge_index = jax.random.randint(k1, (2, E), 0, N, dtype=jnp.int32)
    # learned params, torch.nn.Linear convention: W[out, in], y = x @ W.T + b
    s1 = 1.0 / np.sqrt(2 * D_IN)
    W1 = jax.random.uniform(k2, (D_IN, 2 * D_IN), dtype=jnp.float32, minval=-s1, maxval=s1)
    b1 = jax.random.uniform(k3, (D_IN,), dtype=jnp.float32, minval=-s1, maxval=s1)
    s2 = 1.0 / np.sqrt(D_IN)
    W2 = jax.random.uniform(k4, (D_OUT, D_IN), dtype=jnp.float32, minval=-s2, maxval=s2)
    b2 = jax.random.uniform(k5, (D_OUT,), dtype=jnp.float32, minval=-s2, maxval=s2)
    return {"x": x, "edge_index": edge_index, "W1": W1, "b1": b1, "W2": W2, "b2": b2}


def reference(x, edge_index, W1, b1, W2, b2):
    # ptens transfer1 from node-singleton ptensors1 to 1-hop nhood ptensors1 (nhops=1):
    # target tensor for node i has one row per atom j in nhood(i) = {i} U neighbors(i).
    # Row (i, j) receives the two order-1 -> order-1 linmaps of the singleton source {j}:
    # identity restriction x_j and broadcast of the overlap-reduction (also x_j for
    # singleton overlap), concatenated -> 2 * channels_in features per row.
    n = x.shape[0]
    src = edge_index[0]
    # self rows (atom i in nhood(i)) followed by edge rows (atom src in nhood(dst))
    atom_src = jnp.concatenate([jnp.arange(n, dtype=src.dtype), src], axis=0)
    g = jnp.take(x, atom_src, axis=0)            # [N + E, D_IN] gather
    feats = jnp.concatenate([g, g], axis=-1)     # [N + E, 2 * D_IN]
    h = jax.nn.relu(feats @ W1.T + b1)           # lin1 + relu
    out = jax.nn.relu(h @ W2.T + b2)             # lin2 + relu
    return out                                    # rows of the output ptensors1

if __name__ == "__main__":
    import jax
    _d = setup_inputs()
    print(jax.jit(kernel)(*tuple(_d.values())))

</pallas_src>

<mosaic_0001>
#map = affine_map<(d0, d1) -> (0, 0)>
module attributes {stable_mosaic.version = 14 : i64} {
  func.func @gather_kernel(%arg0: i32, %arg1: i32, %arg2: memref<10000x128xf32, #tpu.memory_space<hbm>>, %arg3: memref<32x10000xi32, #tpu.memory_space<hbm>>, %arg4: memref<330000x128xf32, #tpu.memory_space<hbm>>, %arg5: memref<10000xi32, #tpu.memory_space<vmem>>, %arg6: memref<152x128xf32, #tpu.memory_space<vmem>>, %arg7: memref<152x128xf32, #tpu.memory_space<vmem>>, %arg8: memref<152x128xf32, #tpu.memory_space<vmem>>, %arg9: memref<152x128xf32, #tpu.memory_space<vmem>>, %arg10: memref<320x128xf32, #tpu.memory_space<vmem>>, %arg11: memref<!tpu.dma_semaphore, #tpu.memory_space<semaphore_mem>>, %arg12: memref<!tpu.dma_semaphore, #tpu.memory_space<semaphore_mem>>, %arg13: memref<!tpu.dma_semaphore, #tpu.memory_space<semaphore_mem>>, %arg14: memref<!tpu.dma_semaphore, #tpu.memory_space<semaphore_mem>>, %arg15: memref<!tpu.dma_semaphore, #tpu.memory_space<semaphore_mem>>, %arg16: memref<!tpu.dma_semaphore, #tpu.memory_space<semaphore_mem>>, %arg17: memref<!tpu.dma_semaphore, #tpu.memory_space<semaphore_mem>>, %arg18: memref<!tpu.dma_semaphore, #tpu.memory_space<semaphore_mem>>, %arg19: memref<!tpu.dma_semaphore, #tpu.memory_space<semaphore_mem>>) attributes {dimension_semantics = [#tpu.dimension_semantics<core_parallel>, #tpu.dimension_semantics<subcore_parallel>], iteration_bounds = array<i64: 2, 16>, scalar_prefetch = 0 : i64, scratch_operands = 15 : i64, tpu.core_type = #tpu.core_type<sc_vector_subcore>, window_params = [{transform_indices = #map}, {transform_indices = #map}, {transform_indices = #map}]} {
    %mul3A = arith.constant 2 : i32
    %mul3A_0 = arith.muli %arg1, %mul3A : i32
    %add3A = arith.addi %mul3A_0, %arg0 : i32
    %mul3A_1 = arith.constant 320 : i32
    %mul3A_2 = arith.muli %add3A, %mul3A_1 : i32
    %min3A = arith.constant 9680 : i32
    %min3A_3 = arith.minsi %mul3A_2, %min3A : i32
    %dma_start3A = arith.constant 0 : i32
    %dma_start3A_4 = tpu.memref_slice %arg2[%min3A_3, %dma_start3A] : memref<10000x128xf32, #tpu.memory_space<hbm>> -> memref<320x128xf32, #tpu.memory_space<hbm>>
    %dma_start3A_5 = arith.constant 0 : i32
    %dma_start3A_6 = tpu.memref_slice %arg2[%min3A_3, %dma_start3A_5] : memref<10000x128xf32, #tpu.memory_space<hbm>> -> memref<320x128xf32, #tpu.memory_space<hbm>>
    tpu.enqueue_dma source(%dma_start3A_6 : memref<320x128xf32, #tpu.memory_space<hbm>>) target(%arg10 : memref<320x128xf32, #tpu.memory_space<vmem>>) target_semaphore(%arg19 : memref<!tpu.dma_semaphore, #tpu.memory_space<semaphore_mem>>)
    "tpu.region"() ({
      %run_scoped3A = tpu.sem_alloc : memref<!tpu.dma_semaphore, #tpu.memory_space<semaphore_mem>>
      %dma_start3A_57 = arith.constant 0 : i32
      %dma_start3A_58 = tpu.memref_slice %arg3[%add3A, %dma_start3A_57] : memref<32x10000xi32, #tpu.memory_space<hbm>> -> memref<1x10000xi32, #tpu.memory_space<hbm>>
      %dma_start3A_59 = tpu.memref_squeeze %dma_start3A_58 : memref<1x10000xi32, #tpu.memory_space<hbm>> -> memref<10000xi32, #tpu.memory_space<hbm>>
      %dma_start3A_60 = arith.constant 0 : i32
      %dma_start3A_61 = tpu.memref_slice %arg3[%add3A, %dma_start3A_60] : memref<32x10000xi32, #tpu.memory_space<hbm>> -> memref<1x10000xi32, #tpu.memory_space<hbm>>
      %dma_start3A_62 = tpu.memref_squeeze %dma_start3A_61 : memref<1x10000xi32, #tpu.memory_space<hbm>> -> memref<10000xi32, #tpu.memory_space<hbm>>
      tpu.enqueue_dma source(%dma_start3A_62 : memref<10000xi32, #tpu.memory_space<hbm>>) target(%arg5 : memref<10000xi32, #tpu.memory_space<vmem>>) target_semaphore(%run_scoped3A : memref<!tpu.dma_semaphore, #tpu.memory_space<semaphore_mem>>)
      %dma_wait3A_63 = arith.constant 0 : i32
      %dma_wait3A_64 = tpu.memref_slice %arg3[%add3A, %dma_wait3A_63] : memref<32x10000xi32, #tpu.memory_space<hbm>> -> memref<1x10000xi32, #tpu.memory_space<hbm>>
      %dma_wait3A_65 = tpu.memref_squeeze %dma_wait3A_64 : memref<1x10000xi32, #tpu.memory_space<hbm>> -> memref<10000xi32, #tpu.memory_space<hbm>>
      %dma_wait3A_66 = arith.constant 0 : i32
      %dma_wait3A_67 = tpu.memref_slice %arg3[%add3A, %dma_wait3A_66] : memref<32x10000xi32, #tpu.memory_space<hbm>> -> memref<1x10000xi32, #tpu.memory_space<hbm>>
      %dma_wait3A_68 = tpu.memref_squeeze %dma_wait3A_67 : memref<1x10000xi32, #tpu.memory_space<hbm>> -> memref<10000xi32, #tpu.memory_space<hbm>>
      tpu.wait_dma2 semaphore(%run_scoped3A : memref<!tpu.dma_semaphore, #tpu.memory_space<semaphore_mem>>) src(%dma_wait3A_68 : memref<10000xi32, #tpu.memory_space<hbm>>) dst(%arg5 : memref<10000xi32, #tpu.memory_space<vmem>>)
      tpu.yield
    }) : () -> ()
    %mul3A_7 = arith.constant 10000 : i32
    %mul3A_8 = arith.muli %add3A, %mul3A_7 : i32
    %add3A_9 = arith.constant 10000 : i32
    %add3A_10 = arith.addi %add3A_9, %mul3A_8 : i32
    %min3A_11 = arith.constant 0 : i32
    %min3A_12 = arith.constant 9848 : i32
    %min3A_13 = arith.minsi %min3A_11, %min3A_12 : i32
    %dma_start3A_14 = tpu.memref_slice %arg5[%min3A_13] : memref<10000xi32, #tpu.memory_space<vmem>> -> memref<152xi32, #tpu.memory_space<vmem>>
    %dma_start3A_15 = arith.constant 0 : i32
    %dma_start3A_16 = arith.constant 0 : i32
    %dma_start3A_17 = tpu.memref_slice %arg2[%dma_start3A_15, %dma_start3A_16] : memref<10000x128xf32, #tpu.memory_space<hbm>> -> memref<10000x128xf32, #tpu.memory_space<hbm>>
    tpu.enqueue_indirect_dma source(%dma_start3A_17 : memref<10000x128xf32, #tpu.memory_space<hbm>>) target(%arg6 : memref<152x128xf32, #tpu.memory_space<vmem>>) offsets(%dma_start3A_14 : memref<152xi32, #tpu.memory_space<vmem>>) semaphore(%arg11 : memref<!tpu.dma_semaphore, #tpu.memory_space<semaphore_mem>>)
    %min3A_18 = arith.constant 152 : i32
    %min3A_19 = arith.constant 9848 : i32
    %min3A_20 = arith.minsi %min3A_18, %min3A_19 : i32
    %dma_start3A_21 = tpu.memref_slice %arg5[%min3A_20] : memref<10000xi32, #tpu.memory_space<vmem>> -> memref<152xi32, #tpu.memory_space<vmem>>
    %dma_start3A_22 = arith.constant 0 : i32
    %dma_start3A_23 = arith.constant 0 : i32
    %dma_start3A_24 = tpu.memref_slice %arg2[%dma_start3A_22, %dma_start3A_23] : memref<10000x128xf32, #tpu.memory_space<hbm>> -> memref<10000x128xf32, #tpu.memory_space<hbm>>
    tpu.enqueue_indirect_dma source(%dma_start3A_24 : memref<10000x128xf32, #tpu.memory_space<hbm>>) target(%arg7 : memref<152x128xf32, #tpu.memory_space<vmem>>) offsets(%dma_start3A_21 : memref<152xi32, #tpu.memory_space<vmem>>) semaphore(%arg12 : memref<!tpu.dma_semaphore, #tpu.memory_space<semaphore_mem>>)
    %dma_wait3A = arith.constant 0 : i32
    %dma_wait3A_25 = tpu.memref_slice %arg2[%min3A_3, %dma_wait3A] : memref<10000x128xf32, #tpu.memory_space<hbm>> -> memref<320x128xf32, #tpu.memory_space<hbm>>
    %dma_wait3A_26 = arith.constant 0 : i32
    %dma_wait3A_27 = tpu.memref_slice %arg2[%min3A_3, %dma_wait3A_26] : memref<10000x128xf32, #tpu.memory_space<hbm>> -> memref<320x128xf32, #tpu.memory_space<hbm>>
    tpu.wait_dma2 semaphore(%arg19 : memref<!tpu.dma_semaphore, #tpu.memory_space<semaphore_mem>>) src(%dma_wait3A_27 : memref<320x128xf32, #tpu.memory_space<hbm>>) dst(%arg10 : memref<320x128xf32, #tpu.memory_space<vmem>>)
    %dma_start3A_28 = arith.constant 0 : i32
    %dma_start3A_29 = tpu.memref_slice %arg4[%min3A_3, %dma_start3A_28] : memref<330000x128xf32, #tpu.memory_space<hbm>> -> memref<320x128xf32, #tpu.memory_space<hbm>>
    %dma_start3A_30 = arith.constant 0 : i32
    %dma_start3A_31 = tpu.memref_slice %arg4[%min3A_3, %dma_start3A_30] : memref<330000x128xf32, #tpu.memory_space<hbm>> -> memref<320x128xf32, #tpu.memory_space<hbm>>
    tpu.enqueue_dma source(%arg10 : memref<320x128xf32, #tpu.memory_space<vmem>>) target(%dma_start3A_31 : memref<320x128xf32, #tpu.memory_space<hbm>>) target_semaphore(%arg19 : memref<!tpu.dma_semaphore, #tpu.memory_space<semaphore_mem>>)
    %scan3A = arith.constant 0 : i32
    %scan3A_32 = arith.constant 0 : i32
    %scan3A_33 = arith.constant 66 : i32
    %scan3A_34 = arith.addi %scan3A_32, %scan3A_33 : i32
    %scan3A_35 = arith.constant 1 : i32
    scf.for %scan3A_57 = %scan3A_32 to %scan3A_34 step %scan3A_35  : i32 {
      %rem3A = arith.constant 4 : i32
      %rem3A_58 = arith.remsi %scan3A_57, %rem3A : i32
      %eq3A = arith.constant 0 : i32
      %eq3A_59 = arith.cmpi eq, %rem3A_58, %eq3A : i32
      %convert_element_type3A = arith.extui %eq3A_59 : i1 to i32
      %cond3A = arith.constant 0 : i32
      %cond3A_60 = arith.cmpi ne, %convert_element_type3A, %cond3A : i32
      scf.if %cond3A_60 {
        %add3A_82 = arith.constant 2 : i32
        %add3A_83 = arith.addi %scan3A_57, %add3A_82 : i32
        %ge3A = arith.constant 4 : i32
        %ge3A_84 = arith.cmpi sge, %add3A_83, %ge3A : i32
        %convert_element_type3A_85 = arith.extui %ge3A_84 : i1 to i32
        %cond3A_86 = arith.constant 0 : i32
        %cond3A_87 = arith.cmpi ne, %convert_element_type3A_85, %cond3A_86 : i32
        scf.if %cond3A_87 {
          %add3A_111 = arith.constant 2 : i32
          %add3A_112 = arith.addi %scan3A_57, %add3A_111 : i32
          %sub3A = arith.constant 4 : i32
          %sub3A_113 = arith.subi %add3A_112, %sub3A : i32
          %mul3A_114 = arith.constant 152 : i32
          %mul3A_115 = arith.muli %sub3A_113, %mul3A_114 : i32
          %min3A_116 = arith.constant 9848 : i32
          %min3A_117 = arith.minsi %mul3A_115, %min3A_116 : i32
          %add3A_118 = arith.addi %add3A_10, %min3A_117 : i32
          %dma_wait3A_119 = arith.constant 0 : i32
          %dma_wait3A_120 = tpu.memref_slice %arg4[%add3A_118, %dma_wait3A_119] : memref<330000x128xf32, #tpu.memory_space<hbm>> -> memref<152x128xf32, #tpu.memory_space<hbm>>
          %dma_wait3A_121 = arith.constant 0 : i32
          %dma_wait3A_122 = tpu.memref_slice %arg4[%add3A_118, %dma_wait3A_121] : memref<330000x128xf32, #tpu.memory_space<hbm>> -> memref<152x128xf32, #tpu.memory_space<hbm>>
          tpu.wait_dma2 semaphore(%arg17 : memref<!tpu.dma_semaphore, #tpu.memory_space<semaphore_mem>>) src(%arg8 : memref<152x128xf32, #tpu.memory_space<vmem>>) dst(%dma_wait3A_122 : memref<152x128xf32, #tpu.memory_space<hbm>>)
        } else {
        }
        %add3A_88 = arith.constant 2 : i32
        %add3A_89 = arith.addi %scan3A_57, %add3A_88 : i32
        %lt3A = arith.constant 66 : i32
        %lt3A_90 = arith.cmpi slt, %add3A_89, %lt3A : i32
        %convert_element_type3A_91 = arith.extui %lt3A_90 : i1 to i32
        %cond3A_92 = arith.constant 0 : i32
        %cond3A_93 = arith.cmpi ne, %convert_element_type3A_91, %cond3A_92 : i32
        scf.if %cond3A_93 {
          %add3A_111 = arith.constant 2 : i32
          %add3A_112 = arith.addi %scan3A_57, %add3A_111 : i32
          %mul3A_113 = arith.constant 152 : i32
          %mul3A_114 = arith.muli %add3A_112, %mul3A_113 : i32
          %min3A_115 = arith.constant 9848 : i32
          %min3A_116 = arith.minsi %mul3A_114, %min3A_115 : i32
          %dma_start3A_117 = tpu.memref_slice %arg5[%min3A_116] : memref<10000xi32, #tpu.memory_space<vmem>> -> memref<152xi32, #tpu.memory_space<vmem>>
          %dma_start3A_118 = arith.constant 0 : i32
          %dma_start3A_119 = arith.constant 0 : i32
          %dma_start3A_120 = tpu.memref_slice %arg2[%dma_start3A_118, %dma_start3A_119] : memref<10000x128xf32, #tpu.memory_space<hbm>> -> memref<10000x128xf32, #tpu.memory_space<hbm>>
          tpu.enqueue_indirect_dma source(%dma_start3A_120 : memref<10000x128xf32, #tpu.memory_space<hbm>>) target(%arg8 : memref<152x128xf32, #tpu.memory_space<vmem>>) offsets(%dma_start3A_117 : memref<152xi32, #tpu.memory_space<vmem>>) semaphore(%arg13 : memref<!tpu.dma_semaphore, #tpu.memory_space<semaphore_mem>>)
        } else {
        }
        %mul3A_94 = arith.constant 152 : i32
        %mul3A_95 = arith.muli %scan3A_57, %mul3A_94 : i32
        %min3A_96 = arith.constant 9848 : i32
        %min3A_97 = arith.minsi %mul3A_95, %min3A_96 : i32
        %dma_wait3A_98 = tpu.memref_slice %arg5[%min3A_97] : memref<10000xi32, #tpu.memory_space<vmem>> -> memref<152xi32, #tpu.memory_space<vmem>>
        %dma_wait3A_99 = arith.constant 0 : i32
        %dma_wait3A_100 = arith.constant 0 : i32
        %dma_wait3A_101 = tpu.memref_slice %arg2[%dma_wait3A_99, %dma_wait3A_100] : memref<10000x128xf32, #tpu.memory_space<hbm>> -> memref<10000x128xf32, #tpu.memory_space<hbm>>
        tpu.wait_indirect_dma semaphore(%arg11 : memref<!tpu.dma_semaphore, #tpu.memory_space<semaphore_mem>>) src(%dma_wait3A_101 : memref<10000x128xf32, #tpu.memory_space<hbm>>) dst(%arg6 : memref<152x128xf32, #tpu.memory_space<vmem>>)
        %mul3A_102 = arith.constant 152 : i32
        %mul3A_103 = arith.muli %scan3A_57, %mul3A_102 : i32
        %min3A_104 = arith.constant 9848 : i32
        %min3A_105 = arith.minsi %mul3A_103, %min3A_104 : i32
        %add3A_106 = arith.addi %add3A_10, %min3A_105 : i32
        %dma_start3A_107 = arith.constant 0 : i32
        %dma_start3A_108 = tpu.memref_slice %arg4[%add3A_106, %dma_start3A_107] : memref<330000x128xf32, #tpu.memory_space<hbm>> -> memref<152x128xf32, #tpu.memory_space<hbm>>
        %dma_start3A_109 = arith.constant 0 : i32
        %dma_start3A_110 = tpu.memref_slice %arg4[%add3A_106, %dma_start3A_109] : memref<330000x128xf32, #tpu.memory_space<hbm>> -> memref<152x128xf32, #tpu.memory_space<hbm>>
        tpu.enqueue_dma source(%arg6 : memref<152x128xf32, #tpu.memory_space<vmem>>) target(%dma_start3A_110 : memref<152x128xf32, #tpu.memory_space<hbm>>) target_semaphore(%arg15 : memref<!tpu.dma_semaphore, #tpu.memory_space<semaphore_mem>>)
      } else {
      }
      %rem3A_61 = arith.constant 4 : i32
      %rem3A_62 = arith.remsi %scan3A_57, %rem3A_61 : i32
      %eq3A_63 = arith.constant 1 : i32
      %eq3A_64 = arith.cmpi eq, %rem3A_62, %eq3A_63 : i32
      %convert_element_type3A_65 = arith.extui %eq3A_64 : i1 to i32
      %cond3A_66 = arith.constant 0 : i32
      %cond3A_67 = arith.cmpi ne, %convert_element_type3A_65, %cond3A_66 : i32
      scf.if %cond3A_67 {
        %add3A_82 = arith.constant 2 : i32
        %add3A_83 = arith.addi %scan3A_57, %add3A_82 : i32
        %ge3A = arith.constant 4 : i32
        %ge3A_84 = arith.cmpi sge, %add3A_83, %ge3A : i32
        %convert_element_type3A_85 = arith.extui %ge3A_84 : i1 to i32
        %cond3A_86 = arith.constant 0 : i32
        %cond3A_87 = arith.cmpi ne, %convert_element_type3A_85, %cond3A_86 : i32
        scf.if %cond3A_87 {
          %add3A_111 = arith.constant 2 : i32
          %add3A_112 = arith.addi %scan3A_57, %add3A_111 : i32
          %sub3A = arith.constant 4 : i32
          %sub3A_113 = arith.subi %add3A_112, %sub3A : i32
          %mul3A_114 = arith.constant 152 : i32
          %mul3A_115 = arith.muli %sub3A_113, %mul3A_114 : i32
          %min3A_116 = arith.constant 9848 : i32
          %min3A_117 = arith.minsi %mul3A_115, %min3A_116 : i32
          %add3A_118 = arith.addi %add3A_10, %min3A_117 : i32
          %dma_wait3A_119 = arith.constant 0 : i32
          %dma_wait3A_120 = tpu.memref_slice %arg4[%add3A_118, %dma_wait3A_119] : memref<330000x128xf32, #tpu.memory_space<hbm>> -> memref<152x128xf32, #tpu.memory_space<hbm>>
          %dma_wait3A_121 = arith.constant 0 : i32
          %dma_wait3A_122 = tpu.memref_slice %arg4[%add3A_118, %dma_wait3A_121] : memref<330000x128xf32, #tpu.memory_space<hbm>> -> memref<152x128xf32, #tpu.memory_space<hbm>>
          tpu.wait_dma2 semaphore(%arg18 : memref<!tpu.dma_semaphore, #tpu.memory_space<semaphore_mem>>) src(%arg9 : memref<152x128xf32, #tpu.memory_space<vmem>>) dst(%dma_wait3A_122 : memref<152x128xf32, #tpu.memory_space<hbm>>)
        } else {
        }
        %add3A_88 = arith.constant 2 : i32
        %add3A_89 = arith.addi %scan3A_57, %add3A_88 : i32
        %lt3A = arith.constant 66 : i32
        %lt3A_90 = arith.cmpi slt, %add3A_89, %lt3A : i32
        %convert_element_type3A_91 = arith.extui %lt3A_90 : i1 to i32
        %cond3A_92 = arith.constant 0 : i32
        %cond3A_93 = arith.cmpi ne, %convert_element_type3A_91, %cond3A_92 : i32
        scf.if %cond3A_93 {
          %add3A_111 = arith.constant 2 : i32
          %add3A_112 = arith.addi %scan3A_57, %add3A_111 : i32
          %mul3A_113 = arith.constant 152 : i32
          %mul3A_114 = arith.muli %add3A_112, %mul3A_113 : i32
          %min3A_115 = arith.constant 9848 : i32
          %min3A_116 = arith.minsi %mul3A_114, %min3A_115 : i32
          %dma_start3A_117 = tpu.memref_slice %arg5[%min3A_116] : memref<10000xi32, #tpu.memory_space<vmem>> -> memref<152xi32, #tpu.memory_space<vmem>>
          %dma_start3A_118 = arith.constant 0 : i32
          %dma_start3A_119 = arith.constant 0 : i32
          %dma_start3A_120 = tpu.memref_slice %arg2[%dma_start3A_118, %dma_start3A_119] : memref<10000x128xf32, #tpu.memory_space<hbm>> -> memref<10000x128xf32, #tpu.memory_space<hbm>>
          tpu.enqueue_indirect_dma source(%dma_start3A_120 : memref<10000x128xf32, #tpu.memory_space<hbm>>) target(%arg9 : memref<152x128xf32, #tpu.memory_space<vmem>>) offsets(%dma_start3A_117 : memref<152xi32, #tpu.memory_space<vmem>>) semaphore(%arg14 : memref<!tpu.dma_semaphore, #tpu.memory_space<semaphore_mem>>)
        } else {
        }
        %mul3A_94 = arith.constant 152 : i32
        %mul3A_95 = arith.muli %scan3A_57, %mul3A_94 : i32
        %min3A_96 = arith.constant 9848 : i32
        %min3A_97 = arith.minsi %mul3A_95, %min3A_96 : i32
        %dma_wait3A_98 = tpu.memref_slice %arg5[%min3A_97] : memref<10000xi32, #tpu.memory_space<vmem>> -> memref<152xi32, #tpu.memory_space<vmem>>
        %dma_wait3A_99 = arith.constant 0 : i32
        %dma_wait3A_100 = arith.constant 0 : i32
        %dma_wait3A_101 = tpu.memref_slice %arg2[%dma_wait3A_99, %dma_wait3A_100] : memref<10000x128xf32, #tpu.memory_space<hbm>> -> memref<10000x128xf32, #tpu.memory_space<hbm>>
        tpu.wait_indirect_dma semaphore(%arg12 : memref<!tpu.dma_semaphore, #tpu.memory_space<semaphore_mem>>) src(%dma_wait3A_101 : memref<10000x128xf32, #tpu.memory_space<hbm>>) dst(%arg7 : memref<152x128xf32, #tpu.memory_space<vmem>>)
        %mul3A_102 = arith.constant 152 : i32
        %mul3A_103 = arith.muli %scan3A_57, %mul3A_102 : i32
        %min3A_104 = arith.constant 9848 : i32
        %min3A_105 = arith.minsi %mul3A_103, %min3A_104 : i32
        %add3A_106 = arith.addi %add3A_10, %min3A_105 : i32
        %dma_start3A_107 = arith.constant 0 : i32
        %dma_start3A_108 = tpu.memref_slice %arg4[%add3A_106, %dma_start3A_107] : memref<330000x128xf32, #tpu.memory_space<hbm>> -> memref<152x128xf32, #tpu.memory_space<hbm>>
        %dma_start3A_109 = arith.constant 0 : i32
        %dma_start3A_110 = tpu.memref_slice %arg4[%add3A_106, %dma_start3A_109] : memref<330000x128xf32, #tpu.memory_space<hbm>> -> memref<152x128xf32, #tpu.memory_space<hbm>>
        tpu.enqueue_dma source(%arg7 : memref<152x128xf32, #tpu.memory_space<vmem>>) target(%dma_start3A_110 : memref<152x128xf32, #tpu.memory_space<hbm>>) target_semaphore(%arg16 : memref<!tpu.dma_semaphore, #tpu.memory_space<semaphore_mem>>)
      } else {
      }
      %rem3A_68 = arith.constant 4 : i32
      %rem3A_69 = arith.remsi %scan3A_57, %rem3A_68 : i32
      %eq3A_70 = arith.constant 2 : i32
      %eq3A_71 = arith.cmpi eq, %rem3A_69, %eq3A_70 : i32
      %convert_element_type3A_72 = arith.extui %eq3A_71 : i1 to i32
      %cond3A_73 = arith.constant 0 : i32
      %cond3A_74 = arith.cmpi ne, %convert_element_type3A_72, %cond3A_73 : i32
      scf.if %cond3A_74 {
        %add3A_82 = arith.constant 2 : i32
        %add3A_83 = arith.addi %scan3A_57, %add3A_82 : i32
        %ge3A = arith.constant 4 : i32
        %ge3A_84 = arith.cmpi sge, %add3A_83, %ge3A : i32
        %convert_element_type3A_85 = arith.extui %ge3A_84 : i1 to i32
        %cond3A_86 = arith.constant 0 : i32
        %cond3A_87 = arith.cmpi ne, %convert_element_type3A_85, %cond3A_86 : i32
        scf.if %cond3A_87 {
          %add3A_111 = arith.constant 2 : i32
          %add3A_112 = arith.addi %scan3A_57, %add3A_111 : i32
          %sub3A = arith.constant 4 : i32
          %sub3A_113 = arith.subi %add3A_112, %sub3A : i32
          %mul3A_114 = arith.constant 152 : i32
          %mul3A_115 = arith.muli %sub3A_113, %mul3A_114 : i32
          %min3A_116 = arith.constant 9848 : i32
          %min3A_117 = arith.minsi %mul3A_115, %min3A_116 : i32
          %add3A_118 = arith.addi %add3A_10, %min3A_117 : i32
          %dma_wait3A_119 = arith.constant 0 : i32
          %dma_wait3A_120 = tpu.memref_slice %arg4[%add3A_118, %dma_wait3A_119] : memref<330000x128xf32, #tpu.memory_space<hbm>> -> memref<152x128xf32, #tpu.memory_space<hbm>>
          %dma_wait3A_121 = arith.constant 0 : i32
          %dma_wait3A_122 = tpu.memref_slice %arg4[%add3A_118, %dma_wait3A_121] : memref<330000x128xf32, #tpu.memory_space<hbm>> -> memref<152x128xf32, #tpu.memory_space<hbm>>
          tpu.wait_dma2 semaphore(%arg15 : memref<!tpu.dma_semaphore, #tpu.memory_space<semaphore_mem>>) src(%arg6 : memref<152x128xf32, #tpu.memory_space<vmem>>) dst(%dma_wait3A_122 : memref<152x128xf32, #tpu.memory_space<hbm>>)
        } else {
        }
        %add3A_88 = arith.constant 2 : i32
        %add3A_89 = arith.addi %scan3A_57, %add3A_88 : i32
        %lt3A = arith.constant 66 : i32
        %lt3A_90 = arith.cmpi slt, %add3A_89, %lt3A : i32
        %convert_element_type3A_91 = arith.extui %lt3A_90 : i1 to i32
        %cond3A_92 = arith.constant 0 : i32
        %cond3A_93 = arith.cmpi ne, %convert_element_type3A_91, %cond3A_92 : i32
        scf.if %cond3A_93 {
          %add3A_111 = arith.constant 2 : i32
          %add3A_112 = arith.addi %scan3A_57, %add3A_111 : i32
          %mul3A_113 = arith.constant 152 : i32
          %mul3A_114 = arith.muli %add3A_112, %mul3A_113 : i32
          %min3A_115 = arith.constant 9848 : i32
          %min3A_116 = arith.minsi %mul3A_114, %min3A_115 : i32
          %dma_start3A_117 = tpu.memref_slice %arg5[%min3A_116] : memref<10000xi32, #tpu.memory_space<vmem>> -> memref<152xi32, #tpu.memory_space<vmem>>
          %dma_start3A_118 = arith.constant 0 : i32
          %dma_start3A_119 = arith.constant 0 : i32
          %dma_start3A_120 = tpu.memref_slice %arg2[%dma_start3A_118, %dma_start3A_119] : memref<10000x128xf32, #tpu.memory_space<hbm>> -> memref<10000x128xf32, #tpu.memory_space<hbm>>
          tpu.enqueue_indirect_dma source(%dma_start3A_120 : memref<10000x128xf32, #tpu.memory_space<hbm>>) target(%arg6 : memref<152x128xf32, #tpu.memory_space<vmem>>) offsets(%dma_start3A_117 : memref<152xi32, #tpu.memory_space<vmem>>) semaphore(%arg11 : memref<!tpu.dma_semaphore, #tpu.memory_space<semaphore_mem>>)
        } else {
        }
        %mul3A_94 = arith.constant 152 : i32
        %mul3A_95 = arith.muli %scan3A_57, %mul3A_94 : i32
        %min3A_96 = arith.constant 9848 : i32
        %min3A_97 = arith.minsi %mul3A_95, %min3A_96 : i32
        %dma_wait3A_98 = tpu.memref_slice %arg5[%min3A_97] : memref<10000xi32, #tpu.memory_space<vmem>> -> memref<152xi32, #tpu.memory_space<vmem>>
        %dma_wait3A_99 = arith.constant 0 : i32
        %dma_wait3A_100 = arith.constant 0 : i32
        %dma_wait3A_101 = tpu.memref_slice %arg2[%dma_wait3A_99, %dma_wait3A_100] : memref<10000x128xf32, #tpu.memory_space<hbm>> -> memref<10000x128xf32, #tpu.memory_space<hbm>>
        tpu.wait_indirect_dma semaphore(%arg13 : memref<!tpu.dma_semaphore, #tpu.memory_space<semaphore_mem>>) src(%dma_wait3A_101 : memref<10000x128xf32, #tpu.memory_space<hbm>>) dst(%arg8 : memref<152x128xf32, #tpu.memory_space<vmem>>)
        %mul3A_102 = arith.constant 152 : i32
        %mul3A_103 = arith.muli %scan3A_57, %mul3A_102 : i32
        %min3A_104 = arith.constant 9848 : i32
        %min3A_105 = arith.minsi %mul3A_103, %min3A_104 : i32
        %add3A_106 = arith.addi %add3A_10, %min3A_105 : i32
        %dma_start3A_107 = arith.constant 0 : i32
        %dma_start3A_108 = tpu.memref_slice %arg4[%add3A_106, %dma_start3A_107] : memref<330000x128xf32, #tpu.memory_space<hbm>> -> memref<152x128xf32, #tpu.memory_space<hbm>>
        %dma_start3A_109 = arith.constant 0 : i32
        %dma_start3A_110 = tpu.memref_slice %arg4[%add3A_106, %dma_start3A_109] : memref<330000x128xf32, #tpu.memory_space<hbm>> -> memref<152x128xf32, #tpu.memory_space<hbm>>
        tpu.enqueue_dma source(%arg8 : memref<152x128xf32, #tpu.memory_space<vmem>>) target(%dma_start3A_110 : memref<152x128xf32, #tpu.memory_space<hbm>>) target_semaphore(%arg17 : memref<!tpu.dma_semaphore, #tpu.memory_space<semaphore_mem>>)
      } else {
      }
      %rem3A_75 = arith.constant 4 : i32
      %rem3A_76 = arith.remsi %scan3A_57, %rem3A_75 : i32
      %eq3A_77 = arith.constant 3 : i32
      %eq3A_78 = arith.cmpi eq, %rem3A_76, %eq3A_77 : i32
      %convert_element_type3A_79 = arith.extui %eq3A_78 : i1 to i32
      %cond3A_80 = arith.constant 0 : i32
      %cond3A_81 = arith.cmpi ne, %convert_element_type3A_79, %cond3A_80 : i32
      scf.if %cond3A_81 {
        %add3A_82 = arith.constant 2 : i32
        %add3A_83 = arith.addi %scan3A_57, %add3A_82 : i32
        %ge3A = arith.constant 4 : i32
        %ge3A_84 = arith.cmpi sge, %add3A_83, %ge3A : i32
        %convert_element_type3A_85 = arith.extui %ge3A_84 : i1 to i32
        %cond3A_86 = arith.constant 0 : i32
        %cond3A_87 = arith.cmpi ne, %convert_element_type3A_85, %cond3A_86 : i32
        scf.if %cond3A_87 {
          %add3A_111 = arith.constant 2 : i32
          %add3A_112 = arith.addi %scan3A_57, %add3A_111 : i32
          %sub3A = arith.constant 4 : i32
          %sub3A_113 = arith.subi %add3A_112, %sub3A : i32
          %mul3A_114 = arith.constant 152 : i32
          %mul3A_115 = arith.muli %sub3A_113, %mul3A_114 : i32
          %min3A_116 = arith.constant 9848 : i32
          %min3A_117 = arith.minsi %mul3A_115, %min3A_116 : i32
          %add3A_118 = arith.addi %add3A_10, %min3A_117 : i32
          %dma_wait3A_119 = arith.constant 0 : i32
          %dma_wait3A_120 = tpu.memref_slice %arg4[%add3A_118, %dma_wait3A_119] : memref<330000x128xf32, #tpu.memory_space<hbm>> -> memref<152x128xf32, #tpu.memory_space<hbm>>
          %dma_wait3A_121 = arith.constant 0 : i32
          %dma_wait3A_122 = tpu.memref_slice %arg4[%add3A_118, %dma_wait3A_121] : memref<330000x128xf32, #tpu.memory_space<hbm>> -> memref<152x128xf32, #tpu.memory_space<hbm>>
          tpu.wait_dma2 semaphore(%arg16 : memref<!tpu.dma_semaphore, #tpu.memory_space<semaphore_mem>>) src(%arg7 : memref<152x128xf32, #tpu.memory_space<vmem>>) dst(%dma_wait3A_122 : memref<152x128xf32, #tpu.memory_space<hbm>>)
        } else {
        }
        %add3A_88 = arith.constant 2 : i32
        %add3A_89 = arith.addi %scan3A_57, %add3A_88 : i32
        %lt3A = arith.constant 66 : i32
        %lt3A_90 = arith.cmpi slt, %add3A_89, %lt3A : i32
        %convert_element_type3A_91 = arith.extui %lt3A_90 : i1 to i32
        %cond3A_92 = arith.constant 0 : i32
        %cond3A_93 = arith.cmpi ne, %convert_element_type3A_91, %cond3A_92 : i32
        scf.if %cond3A_93 {
          %add3A_111 = arith.constant 2 : i32
          %add3A_112 = arith.addi %scan3A_57, %add3A_111 : i32
          %mul3A_113 = arith.constant 152 : i32
          %mul3A_114 = arith.muli %add3A_112, %mul3A_113 : i32
          %min3A_115 = arith.constant 9848 : i32
          %min3A_116 = arith.minsi %mul3A_114, %min3A_115 : i32
          %dma_start3A_117 = tpu.memref_slice %arg5[%min3A_116] : memref<10000xi32, #tpu.memory_space<vmem>> -> memref<152xi32, #tpu.memory_space<vmem>>
          %dma_start3A_118 = arith.constant 0 : i32
          %dma_start3A_119 = arith.constant 0 : i32
          %dma_start3A_120 = tpu.memref_slice %arg2[%dma_start3A_118, %dma_start3A_119] : memref<10000x128xf32, #tpu.memory_space<hbm>> -> memref<10000x128xf32, #tpu.memory_space<hbm>>
          tpu.enqueue_indirect_dma source(%dma_start3A_120 : memref<10000x128xf32, #tpu.memory_space<hbm>>) target(%arg7 : memref<152x128xf32, #tpu.memory_space<vmem>>) offsets(%dma_start3A_117 : memref<152xi32, #tpu.memory_space<vmem>>) semaphore(%arg12 : memref<!tpu.dma_semaphore, #tpu.memory_space<semaphore_mem>>)
        } else {
        }
        %mul3A_94 = arith.constant 152 : i32
        %mul3A_95 = arith.muli %scan3A_57, %mul3A_94 : i32
        %min3A_96 = arith.constant 9848 : i32
        %min3A_97 = arith.minsi %mul3A_95, %min3A_96 : i32
        %dma_wait3A_98 = tpu.memref_slice %arg5[%min3A_97] : memref<10000xi32, #tpu.memory_space<vmem>> -> memref<152xi32, #tpu.memory_space<vmem>>
        %dma_wait3A_99 = arith.constant 0 : i32
        %dma_wait3A_100 = arith.constant 0 : i32
        %dma_wait3A_101 = tpu.memref_slice %arg2[%dma_wait3A_99, %dma_wait3A_100] : memref<10000x128xf32, #tpu.memory_space<hbm>> -> memref<10000x128xf32, #tpu.memory_space<hbm>>
        tpu.wait_indirect_dma semaphore(%arg14 : memref<!tpu.dma_semaphore, #tpu.memory_space<semaphore_mem>>) src(%dma_wait3A_101 : memref<10000x128xf32, #tpu.memory_space<hbm>>) dst(%arg9 : memref<152x128xf32, #tpu.memory_space<vmem>>)
        %mul3A_102 = arith.constant 152 : i32
        %mul3A_103 = arith.muli %scan3A_57, %mul3A_102 : i32
        %min3A_104 = arith.constant 9848 : i32
        %min3A_105 = arith.minsi %mul3A_103, %min3A_104 : i32
        %add3A_106 = arith.addi %add3A_10, %min3A_105 : i32
        %dma_start3A_107 = arith.constant 0 : i32
        %dma_start3A_108 = tpu.memref_slice %arg4[%add3A_106, %dma_start3A_107] : memref<330000x128xf32, #tpu.memory_space<hbm>> -> memref<152x128xf32, #tpu.memory_space<hbm>>
        %dma_start3A_109 = arith.constant 0 : i32
        %dma_start3A_110 = tpu.memref_slice %arg4[%add3A_106, %dma_start3A_109] : memref<330000x128xf32, #tpu.memory_space<hbm>> -> memref<152x128xf32, #tpu.memory_space<hbm>>
        tpu.enqueue_dma source(%arg9 : memref<152x128xf32, #tpu.memory_space<vmem>>) target(%dma_start3A_110 : memref<152x128xf32, #tpu.memory_space<hbm>>) target_semaphore(%arg18 : memref<!tpu.dma_semaphore, #tpu.memory_space<semaphore_mem>>)
      } else {
      }
    }
    %scan3A_36 = arith.constant 66 : i32
    %min3A_37 = arith.constant 9728 : i32
    %min3A_38 = arith.constant 9848 : i32
    %min3A_39 = arith.minsi %min3A_37, %min3A_38 : i32
    %add3A_40 = arith.addi %add3A_10, %min3A_39 : i32
    %dma_wait3A_41 = arith.constant 0 : i32
    %dma_wait3A_42 = tpu.memref_slice %arg4[%add3A_40, %dma_wait3A_41] : memref<330000x128xf32, #tpu.memory_space<hbm>> -> memref<152x128xf32, #tpu.memory_space<hbm>>
    %dma_wait3A_43 = arith.constant 0 : i32
    %dma_wait3A_44 = tpu.memref_slice %arg4[%add3A_40, %dma_wait3A_43] : memref<330000x128xf32, #tpu.memory_space<hbm>> -> memref<152x128xf32, #tpu.memory_space<hbm>>
    tpu.wait_dma2 semaphore(%arg15 : memref<!tpu.dma_semaphore, #tpu.memory_space<semaphore_mem>>) src(%arg6 : memref<152x128xf32, #tpu.memory_space<vmem>>) dst(%dma_wait3A_44 : memref<152x128xf32, #tpu.memory_space<hbm>>)
    %min3A_45 = arith.constant 9880 : i32
    %min3A_46 = arith.constant 9848 : i32
    %min3A_47 = arith.minsi %min3A_45, %min3A_46 : i32
    %add3A_48 = arith.addi %add3A_10, %min3A_47 : i32
    %dma_wait3A_49 = arith.constant 0 : i32
    %dma_wait3A_50 = tpu.memref_slice %arg4[%add3A_48, %dma_wait3A_49] : memref<330000x128xf32, #tpu.memory_space<hbm>> -> memref<152x128xf32, #tpu.memory_space<hbm>>
    %dma_wait3A_51 = arith.constant 0 : i32
    %dma_wait3A_52 = tpu.memref_slice %arg4[%add3A_48, %dma_wait3A_51] : memref<330000x128xf32, #tpu.memory_space<hbm>> -> memref<152x128xf32, #tpu.memory_space<hbm>>
    tpu.wait_dma2 semaphore(%arg16 : memref<!tpu.dma_semaphore, #tpu.memory_space<semaphore_mem>>) src(%arg7 : memref<152x128xf32, #tpu.memory_space<vmem>>) dst(%dma_wait3A_52 : memref<152x128xf32, #tpu.memory_space<hbm>>)
    %dma_wait3A_53 = arith.constant 0 : i32
    %dma_wait3A_54 = tpu.memref_slice %arg4[%min3A_3, %dma_wait3A_53] : memref<330000x128xf32, #tpu.memory_space<hbm>> -> memref<320x128xf32, #tpu.memory_space<hbm>>
    %dma_wait3A_55 = arith.constant 0 : i32
    %dma_wait3A_56 = tpu.memref_slice %arg4[%min3A_3, %dma_wait3A_55] : memref<330000x128xf32, #tpu.memory_space<hbm>> -> memref<320x128xf32, #tpu.memory_space<hbm>>
    tpu.wait_dma2 semaphore(%arg19 : memref<!tpu.dma_semaphore, #tpu.memory_space<semaphore_mem>>) src(%arg10 : memref<320x128xf32, #tpu.memory_space<vmem>>) dst(%dma_wait3A_56 : memref<320x128xf32, #tpu.memory_space<hbm>>)
    return
  }
}

module attributes {stable_mosaic.version = 14 : i64} {
  func.func @_mlp_body(%arg0: i32, %arg1: memref<2000x128xf32, #tpu.memory_space<vmem>>, %arg2: memref<128x256xf32, #tpu.memory_space<vmem>>, %arg3: memref<1x128xf32, #tpu.memory_space<vmem>>, %arg4: memref<128x128xf32, #tpu.memory_space<vmem>>, %arg5: memref<1x128xf32, #tpu.memory_space<vmem>>, %arg6: memref<2000x128xf32, #tpu.memory_space<vmem>>) attributes {dimension_semantics = [#tpu.dimension_semantics<arbitrary>], iteration_bounds = array<i64: 5>, scalar_prefetch = 0 : i64, scratch_operands = 0 : i64, tpu.core_type = #tpu.core_type<tc>, window_params = [{transform_indices = @transform_0, window_bounds = array<i64: 2000, 128>}, {pipeline_mode = #tpu.pipeline_mode<synchronous>, transform_indices = @transform_1, window_bounds = array<i64: 128, 256>}, {pipeline_mode = #tpu.pipeline_mode<synchronous>, transform_indices = @transform_2, window_bounds = array<i64: 1, 128>}, {pipeline_mode = #tpu.pipeline_mode<synchronous>, transform_indices = @transform_3, window_bounds = array<i64: 128, 128>}, {pipeline_mode = #tpu.pipeline_mode<synchronous>, transform_indices = @transform_4, window_bounds = array<i64: 1, 128>}, {transform_indices = @transform_5, window_bounds = array<i64: 2000, 128>}]} {
    %get3A = arith.constant 0 : index
    %get3A_0 = arith.constant 0 : index
    %get3A_1 = vector.load %arg2[%get3A, %get3A_0] : memref<128x256xf32, #tpu.memory_space<vmem>>, vector<128x128xf32>
    %get3A_2 = arith.constant 0 : index
    %get3A_3 = arith.constant 128 : index
    %get3A_4 = vector.load %arg2[%get3A_2, %get3A_3] : memref<128x256xf32, #tpu.memory_space<vmem>>, vector<128x128xf32>
    %add3A = arith.addf %get3A_1, %get3A_4 : vector<128x128xf32>
    %get3A_5 = arith.constant 0 : index
    %get3A_6 = arith.constant 0 : index
    %get3A_7 = vector.load %arg1[%get3A_5, %get3A_6] : memref<2000x128xf32, #tpu.memory_space<vmem>>, vector<2000x128xf32>
    %dot_general3A = arith.constant dense<0.000000e+00> : vector<2000x128xf32>
    %dot_general3A_8 = tpu.matmul %get3A_7, %add3A, %dot_general3A {dimension_numbers = #tpu.dot_dimension_numbers<[1], [1], [0], [0], [0, 0, 1, 0], [], []>, transpose_lhs_hint = false} : vector<2000x128xf32>, vector<128x128xf32>, vector<2000x128xf32> -> vector<2000x128xf32>
    %get3A_9 = arith.constant 0 : index
    %get3A_10 = arith.constant 0 : index
    %get3A_11 = vector.load %arg3[%get3A_9, %get3A_10] : memref<1x128xf32, #tpu.memory_space<vmem>>, vector<1x128xf32>
    %add3A_12 = vector.broadcast %get3A_11 : vector<1x128xf32> to vector<2000x128xf32>
    %add3A_13 = arith.addf %dot_general3A_8, %add3A_12 : vector<2000x128xf32>
    %max3A = arith.constant 0.000000e+00 : f32
    %max3A_14 = vector.broadcast %max3A : f32 to vector<2000x128xf32>
    %max3A_15 = arith.maximumf %add3A_13, %max3A_14 : vector<2000x128xf32>
    %get3A_16 = arith.constant 0 : index
    %get3A_17 = arith.constant 0 : index
    %get3A_18 = vector.load %arg4[%get3A_16, %get3A_17] : memref<128x128xf32, #tpu.memory_space<vmem>>, vector<128x128xf32>
    %dot_general3A_19 = arith.constant dense<0.000000e+00> : vector<2000x128xf32>
    %dot_general3A_20 = tpu.matmul %max3A_15, %get3A_18, %dot_general3A_19 {dimension_numbers = #tpu.dot_dimension_numbers<[1], [1], [0], [0], [0, 0, 1, 0], [], []>, transpose_lhs_hint = false} : vector<2000x128xf32>, vector<128x128xf32>, vector<2000x128xf32> -> vector<2000x128xf32>
    %get3A_21 = arith.constant 0 : index
    %get3A_22 = arith.constant 0 : index
    %get3A_23 = vector.load %arg5[%get3A_21, %get3A_22] : memref<1x128xf32, #tpu.memory_space<vmem>>, vector<1x128xf32>
    %add3A_24 = vector.broadcast %get3A_23 : vector<1x128xf32> to vector<2000x128xf32>
    %add3A_25 = arith.addf %dot_general3A_20, %add3A_24 : vector<2000x128xf32>
    %max3A_26 = arith.constant 0.000000e+00 : f32
    %max3A_27 = vector.broadcast %max3A_26 : f32 to vector<2000x128xf32>
    %max3A_28 = arith.maximumf %add3A_25, %max3A_27 : vector<2000x128xf32>
    %swap3A = arith.constant 0 : index
    %swap3A_29 = arith.constant 0 : index
    %swap3A_30 = vector.load %arg6[%swap3A, %swap3A_29] : memref<2000x128xf32, #tpu.memory_space<vmem>>, vector<2000x128xf32>
    tpu.vector_store %arg6[%swap3A, %swap3A_29], %max3A_28 {strides = array<i32>} : memref<2000x128xf32, #tpu.memory_space<vmem>>, vector<2000x128xf32>,
    return
  }
  func.func @transform_0(%arg0: i32) -> (i32, i32) {
    %c0_i32 = arith.constant 0 : i32
    %c0_i32_0 = arith.constant 0 : i32
    return %arg0, %c0_i32 : i32, i32
  }
  func.func @transform_1(%arg0: i32) -> (i32, i32) {
    %c0_i32 = arith.constant 0 : i32
    %c0_i32_0 = arith.constant 0 : i32
    %c0_i32_1 = arith.constant 0 : i32
    return %c0_i32, %c0_i32_0 : i32, i32
  }
  func.func @transform_2(%arg0: i32) -> (i32, i32) {
    %c0_i32 = arith.constant 0 : i32
    %c0_i32_0 = arith.constant 0 : i32
    %c0_i32_1 = arith.constant 0 : i32
    return %c0_i32, %c0_i32_0 : i32, i32
  }
  func.func @transform_3(%arg0: i32) -> (i32, i32) {
    %c0_i32 = arith.constant 0 : i32
    %c0_i32_0 = arith.constant 0 : i32
    %c0_i32_1 = arith.constant 0 : i32
    return %c0_i32, %c0_i32_0 : i32, i32
  }
  func.func @transform_4(%arg0: i32) -> (i32, i32) {
    %c0_i32 = arith.constant 0 : i32
    %c0_i32_0 = arith.constant 0 : i32
    %c0_i32_1 = arith.constant 0 : i32
    return %c0_i32, %c0_i32_0 : i32, i32
  }
  func.func @transform_5(%arg0: i32) -> (i32, i32) {
    %c0_i32 = arith.constant 0 : i32
    %c0_i32_0 = arith.constant 0 : i32
    return %arg0, %c0_i32 : i32, i32
  }
}

</mosaic_0001>

<sc_bundles>
// kernel: kernel.4.cloned.1.call-start
scs
__scs_entry_jumppad:
0x0: {  	(pc) =	sbr.rel $0x88, $3  }
0x1: {  	(tag) =	ssettag $0x0;
	lr =	simm.s32 $0x1  }
0x2: {  	[smem:$0x3F9B] =	sst lr;
	_ =	strace $0xD0000000  }
0x3: {  	_ = 	snop  }
0x4: {  	_ = 	snop  }
0x5: {  	_ = 	snop  }
0x6: {  	_ = 	snop  }
0x7: {  	_ = 	snop  }
__scs_overlays_trampoline_lowered:
0x8: {  	[smem:$0x3FAA] =	sst s0  }
0x9: {  	[smem:$0x3FAB] =	sst s1  }
0xa: {  	[smem:$0x3FAC] =	sst s2  }
0xb: {  	[smem:$0x3FAD] =	sst s3  }
0xc: {  	[smem:$0x3FAE] =	sst s4  }
0xd: {  	[smem:$0x3FAF] =	sst s5  }
0xe: {  	[smem:$0x3FB0] =	sst s6  }
0xf: {  	[smem:$0x3FB1] =	sst s7  }
0x10: {  	[smem:$0x3FB2] =	sst s8  }
0x11: {  	[smem:$0x3FB3] =	sst s9;
	s0 =	simm.s32 @!p0 $0x0  }
0x12: {  	s1 =	sld [smem:$0x3F99];
	s0 =	simm.s32 @p0 $0x1  }
0x13: {  	[smem:$0x3FB4] =	sst s0;
	s0 =	simm.s32 @!p1 $0x0  }
0x14: {  	s2 =	sld [smem:$0x3F98];
	s0 =	simm.s32 @p1 $0x1  }
0x15: {  	[smem:$0x3FB5] =	sst s0;
	s0 =	simm.s32 @!p2 $0x0  }
0x16: {  	s3 =	sld [smem:$0x3FDB];
	s0 =	simm.s32 @p2 $0x1  }
0x17: {  	s4 =	simm.s32 $0x1BF5;
	[smem:$0x3FB7] =	sst s0  }
0x18: {  	s0 =	sld [smem:$0x3F9A];
	_ =	swait.ge [sflag:s4], $0x0  }
0x19: {  	s7 =	sld [smem:$0x3F9B]  }
0x1a: {  	s8 =	sadd.s32 $0xFFFFE003, lr  }
0x1b: {  	s9 =	sadd.s32 $0xFFFFFEF7, lr;
	s5 =	simm.s32 $0xFFFFFFFF;
	p2 =	slt.u32 s8, $0xFFFFF086  }
0x1c: {  	p1 =	slt.u32 s9, $0xF7A;
	s5 =	simm.s32 @!p2 $0x0  }
0x1d: {  	s5 =	simm.s32 @p1 $0x1;
	p0 =	seq.s32 s7, s2  }
0x1e: {  	s7 =	smul.u32 @!p0 $0xF7A, s2;
	p2 =	seq.s32 @!p0 s5, $0x0  }
0x1f: {  	s9 =	smul.u32 $0xF7A, s1;
	s8 =	simm.s32 @!p0 $0x1BF5;
	p2 =	por !p2, p0  }
0x20: {  	[sflag:s8] =	ssyncset.s32 @!p0 $0xFFFFF086;
	s6 =	sadd.s32 @!p0 s3, s7;
	s7 =	simm.s32 @!p0 $0x108  }
0x21: {  	s3 =	sadd.s32 s3, s9;
	s6 =	sadd.s32 @!p0 $0x88, s6;
	s7 =	simm.s32 @p2 $0x1082  }
0x22: {  	[simem:s7], [sflag:s8] =	dma.local @!p0 [hbm:s6], $0xF7A  }
0x23: {  	s9 =	sor.u32 $0xD0000000, s2;
	s6 =	simm.s32 $0x108;
	_ =	swait.ge @!p0 [sflag:s8], $0x0  }
0x24: {  	s3 =	sadd.s32 $0x88, s3;
	s6 =	simm.s32 @!p1 $0x1082;
	[sflag:s4] =	ssyncset.s32 $0xFFFFF086  }
0x25: {  	[simem:s6], [sflag:s4] =	dma.local [hbm:s3], $0xF7A  }
0x26: {  	[smem:$0x3F9B] =	sst s1;
	(tag) =	ssettag s2;
	_ =	strace s9  }
0x27: {  	s1 =	sld [smem:$0x3FAB]  }
0x28: {  	s2 =	sld [smem:$0x3FAC]  }
0x29: {  	s4 =	sld [smem:$0x3FAE]  }
0x2a: {  	p0 =	seq.s32 s5, $0x0;
	s5 =	sld [smem:$0x3FAF]  }
0x2b: {  	s6 =	sld [smem:$0x3FB0]  }
0x2c: {  	s7 =	sld [smem:$0x3FB1]  }
0x2d: {  	s3 =	simm.s32 $0x108;
	s8 =	sld [smem:$0x3FB2]  }
0x2e: {  	s3 =	simm.s32 @!p0 $0x1082;
	s9 =	sld [smem:$0x3FB3]  }
0x2f: {  	lr =	sadd.s32 s0, s3;
	s0 =	sld [smem:$0x3FAA]  }
0x30: {  	s3 =	sld [smem:$0x3FAD]  }
0x31: {  	[smem:$0x3FB6] =	sst s10  }
0x32: {  	s10 =	sld [smem:$0x3FB4];
	_ =	sdelay $0x3  }
0x33: {  	p0 =	seq.s32 s10, $0x1;
	s10 =	sld [smem:$0x3FB6];
	_ =	sdelay $0x3  }
0x34: {  	[smem:$0x3FB6] =	sst s10  }
0x35: {  	s10 =	sld [smem:$0x3FB5];
	_ =	sdelay $0x3  }
0x36: {  	p1 =	seq.s32 s10, $0x1;
	s10 =	sld [smem:$0x3FB6];
	_ =	sdelay $0x3  }
0x37: {  	[smem:$0x3FB6] =	sst s10  }
0x38: {  	s10 =	sld [smem:$0x3FB7]  }
0x39: {  	_ = 	snop;
	(pc) =	sbr.ind lr, $3  }
0x3a: {  	_ = 	snop  }
0x3b: {  	_ = 	snop  }
0x3c: {  	p2 =	seq.s32 s10, $0x1;
	s10 =	sld [smem:$0x3FB6]  }
0x3d: {  	_ =	shalt  }
0x3e: {  	_ =	shalt  }
0x3f: {  	_ =	shalt  }
0x40: {  	_ =	shalt  }
0x41: {  	_ =	shalt  }
0x42: {  	_ =	shalt  }
0x43: {  	_ =	shalt  }
0x44: {  	_ =	shalt  }
0x45: {  	_ =	shalt  }
0x46: {  	_ =	shalt  }
0x47: {  	_ =	shalt  }
0x48: {  	_ =	shalt  }
0x49: {  	_ =	shalt  }
0x4a: {  	_ =	shalt  }
0x4b: {  	_ =	shalt  }
0x4c: {  	_ =	shalt  }
0x4d: {  	_ =	shalt  }
0x4e: {  	_ =	shalt  }
0x4f: {  	_ =	shalt  }
0x50: {  	_ =	shalt  }
0x51: {  	_ =	shalt  }
0x52: {  	_ =	shalt  }
0x53: {  	_ =	shalt  }
0x54: {  	_ =	shalt  }
0x55: {  	_ =	shalt  }
0x56: {  	_ =	shalt  }
0x57: {  	_ =	shalt  }
0x58: {  	_ =	shalt  }
0x59: {  	_ =	shalt  }
0x5a: {  	_ =	shalt  }
0x5b: {  	_ =	shalt  }
0x5c: {  	_ =	shalt  }
0x5d: {  	_ =	shalt  }
0x5e: {  	_ =	shalt  }
0x5f: {  	_ =	shalt  }
0x60: {  	_ =	shalt  }
0x61: {  	_ =	shalt  }
0x62: {  	_ =	shalt  }
0x63: {  	_ =	shalt  }
0x64: {  	_ =	shalt  }
0x65: {  	_ =	shalt  }
0x66: {  	_ =	shalt  }
0x67: {  	_ =	shalt  }
0x68: {  	_ =	shalt  }
0x69: {  	_ =	shalt  }
0x6a: {  	_ =	shalt  }
0x6b: {  	_ =	shalt  }
0x6c: {  	_ =	shalt  }
0x6d: {  	_ =	shalt  }
0x6e: {  	_ =	shalt  }
0x6f: {  	_ =	shalt  }
0x70: {  	_ =	shalt  }
0x71: {  	_ =	shalt  }
0x72: {  	_ =	shalt  }
0x73: {  	_ =	shalt  }
0x74: {  	_ =	shalt  }
0x75: {  	_ =	shalt  }
0x76: {  	_ =	shalt  }
0x77: {  	_ =	shalt  }
0x78: {  	_ =	shalt  }
0x79: {  	_ =	shalt  }
0x7a: {  	_ =	shalt  }
0x7b: {  	_ =	shalt  }
0x7c: {  	_ =	shalt  }
0x7d: {  	_ =	shalt  }
0x7e: {  	_ =	shalt  }
0x7f: {  	_ =	shalt  }
0x80: {  	_ =	shalt  }
0x81: {  	_ =	shalt  }
0x82: {  	_ =	shalt  }
0x83: {  	_ =	shalt  }
0x84: {  	_ =	shalt  }
0x85: {  	_ =	shalt  }
0x86: {  	_ =	shalt  }
0x87: {  	_ =	shalt  }
.Lfunc_end0:
.L_simem_size_0:
called_computation_lowered:
.L_overlay_start_0:
0x88: {  	s2 =	sld [smem:$0x3FD9]  }
0x89: {  	s3 =	sld [smem:$0x3FFE];
	_ =	sdelay $0x1  }
0x8a: {  	s1 =	srdreg.scid  }
0x8b: {  	s0 =	sand.u32 $0x1, s1  }
0x8c: {  	s17 =	sshll.u32 s0, $0xA;
	s2 =	sadd.s32 s3, s2  }
0x8d: {  	s2 =	sadd.s32 s2, s17  }
0x8e: {  	[smem:$0x3FC2] =	sst s2  }
0x8f: {  	_ = 	snop  }
0x90: {  	s2 =	sld [smem:$0x3FD0];
	(tm) =	ssettm $0x1  }
0x91: {  	s18 =	sld [smem:$0x3FFB];
	_ =	sdelay $0x3  }
0x92: {  	_ =	strace s18  }
0x93: {  	s3 =	sld [smem:$0x3FFC];
	_ =	sdelay $0x3  }
0x94: {  	_ =	strace s3  }
0x95: {  	s3 =	sld [smem:$0x3FFD];
	_ =	sdelay $0x3  }
0x96: {  	_ =	strace s3  }
0x97: {  	_ =	strace $0x8FFFFFFF  }
0x98: {  	s19 =	sld [smem:$0x3FDB];
	_ =	sdelay $0x1  }
0x99: {  	s4 =	simm.s32 $_scs_section_size  }
0x9a: {  	s5 =	simm.s32 $_size__tile_overlayer_lowered;
	s6 =	simm.s32 $_tile_overlayer_lowered  }
0x9b: {  	s22 =	simm.s32 $0x1BFF;
	s21 =	sshll.u32 s6, $0x1;
	s3 =	sadd.s32 s4, s19  }
0x9c: {  	s7 =	simm.s32 $0x0;
	s20 =	sshll.u32 s5, $0x1;
	s5 =	sadd.s32 s21, s3  }
0x9d: {  	[timem:s7], [sflag:s22] =	dma.local [hbm:s5], s20  }
0x9e: {  	_ =	swait.ge [sflag:s22], s20  }
0x9f: {  	s4 =	ssub.s32 $0x0, s20;
	[sflag:s22] =	ssyncset.done $0x0  }
0xa0: {  	[sflag:s22] =	ssyncadd.s32 s4;
	_ =	sdelay $0x1  }
0xa1: {  	s23 =	simm.s32 $0x1B8B  }
0xa2: {  	_ =	swait.ge [sflag:s23], $0x1  }
0xa3: {  	[sflag:s23] =	ssyncset.done $0x0  }
0xa4: {  	s25 =	simm.s32 $0x1B8E;
	s24 =	sld [smem:$0x3FFE];
	[sflag:s23] =	ssyncadd.s32 $0xFFFFFFFF  }
0xa5: {  	s26 =	simm.s32 $execute0_lowered;
	[smem:$0x3FD2] =	sst s25  }
0xa6: {  	s5 =	sshll.u32 s26, $0x1;
	_ =	strace $0x80000046;
	[dreg:$0x1] =	wrdreg $0xFFFFFFFF  }
0xa7: {  	s28 =	simm.s32 $_size_execute0_lowered;
	s3 =	sadd.s32 s3, s5;
	[dreg:$0x0] =	wrdreg $0x0  }
0xa8: {  	s5 =	sshll.u32 s28, $0x1;
	[dreg:$0x2] =	wrdreg s3  }
0xa9: {  	[dreg:$0x3] =	wrdreg s5  }
0xaa: {  	[dreg:$0x4] =	wrdreg $0xC0  }
0xab: {  	_ =	task [dreg:s7], $0x5FFFF  }
0xac: {  	[dreg:$0x1] =	wrdreg $0xFFFFFFFF  }
0xad: {  	[dreg:$0x0] =	wrdreg $0x60  }
0xae: {  	[dreg:$0x2] =	wrdreg s24  }
0xaf: {  	[dreg:$0x3] =	wrdreg s2  }
0xb0: {  	[dreg:$0x4] =	wrdreg $0x9  }
0xb1: {  	_ =	task.clear_ibuf [dreg:s7], $0x5FFFF;
	_ =	strace $0x90000046  }
0xb2: {  	s29 =	simm.s32 $0x9;
	_ =	strace $0x80000048  }
0xb3: {  	_ =	swait.ge [sflag:s29], $0x1  }
0xb4: {  	[sflag:s29] =	ssyncadd.s32 $0xFFFFFFFF  }
0xb5: {  	_ =	strace $0x90000048  }
0xb6: {  	_ =	sfence  }
0xb7: {  	s30 =	sld [smem:$0x0];
	_ =	sdelay $0x2  }
0xb8: {  	s31 =	sshll.u32 s1, $0xD;
	s1 =	sshrl.u32 s1, $0x2  }
0xb9: {  	s3 =	sand.u32 $0x4000, s31;
	s1 =	sadd.s32 s1, s30  }
0xba: {  	s0 =	sor.u32 s3, s0;
	s1 =	sshll.u32 s1, $0x11  }
0xbb: {  	s0 =	sor.u32 s1, s0  }
0xbc: {  	s0 =	sadd.s32 $0x8F2B, s0  }
0xbd: {  	[sflag:s0] =	ssyncadd.remote.s32 $0x1  }
0xbe: {  	_ =	sfence.sel $0xFFFF  }
0xbf: {  	[dreg:$0x0] =	wrdreg $0xFFFFFFFF;
	(pc) =	sbr.abs _section_cstart, $3  }
0xc0: {  	[dreg:$0x1] =	wrdreg $0xFFFFFFFF  }
0xc1: {  	_ =	task.clear_ibuf [dreg:s7], $0x2FFFF;
	_ =	strace $0x9FFFFFFF  }
0xc2: {  	(tm) =	ssettm $0x7FFFFFFF  }
0xc3: {  	_ =	shalt  }
tec
execute0_lowered:
.L_overlay_start_1:
0x0: {  	(tag) =	ssettag $0x1  }
0x1: {  	s5 =	rddreg [dreg:$0x0];
	s1 =	srdreg.scid  }
0x2: {  	s0 =	stileid.u32;
	s2 =	rddreg [dreg:$0x1]  }
0x3: {  	s11 =	simm.s32 $0x80;
	s12 =	simm.s32 $0x400;
	s13 =	simm.s32 $0xA  }
0x4: {  	s14 =	simm.s32 $0x98;
	s15 =	simm.s32 $0x2780;
	s16 =	simm.s32 $0x7380  }
0x5: {  	s17 =	simm.s32 $0x9;
	s18 =	simm.s32 $0xBF80;
	s19 =	simm.s32 $0x1  }
0x6: {  	s20 =	simm.s32 $0x10B80;
	s21 =	simm.s32 $0x2;
	s22 =	simm.s32 $0x5  }
0x7: {  	s23 =	simm.s32 $0x6;
	s24 =	simm.s32 $0x3;
	s25 =	simm.s32 $0x4  }
0x8: {  	s26 =	simm.s32 $0x0;
	s6 =	sand.u32 $0x1, s1;
	s3 =	sshll.u32 s0, $0x1  }
0x9: {  	s1 =	rddreg [dreg:$0x2];
	s4 =	sshrl.u32 s0, $0x2;
	s7 =	sor.u32 s6, s3  }
0xa: {  	s3 =	simm.s32 $0x0;
	s8 =	smul.u32 $0x13C00, s4;
	s4 =	sadd.s32 $0xAA00, s5  }
0xb: {  	s6 =	ssub.s32 $0x2, s6;
	s29 =	sshll.u32 s7, $0x7;
	s10 =	smul.u32 $0x140, s7  }
0xc: {  	[smem:$0x7FF] =	sst s3;
	s7 =	smul.u32 $0x2710, s7;
	s9 =	sand.u32 $0x380, s29  }
.Ltmp0:
0xd: {  	s31 =	sshrl.u32 s6, $0x1;
	s8 =	sor.u32 s8, s9;
	(pc) =	sbr.rel .LBB2_1-.Ltmp0, $4  }
0xe: {  	_ =	strace $0x80000047;
	s30 =	smin.u32 s10, $0x25D0;
	s8 =	sshrl.u32 s8, $0x3  }
0xf: {  	s10 =	ssub.s32 s6, s31;
	s9 =	sshll.u32 s30, $0x4;
	s8 =	sadd.s32 s8, s5  }
0x10: {  	s7 =	sadd.s32 $0x2710, s7;
	s5 =	sadd.s32 s4, s9;
	s6 =	sadd.s32 $0xC00, s8  }
0x11: {  	s8 =	sadd.s32 s2, s9;
	s9 =	smax.u32 s10, $0x1;
	s10 =	simm.s32 $0x15780  }
.LBB2_10:
0x12: {  	_ =	swait.ge [sflag:s22], $0x4C00  }
0x13: {  	[sflag:s22] =	ssyncset.done $0x0  }
0x14: {  	s26 =	sadd.s32 $0x1, s26;
	[sflag:s22] =	ssyncadd.s32 $0xFFFFB400  }
0x15: {  	p0 =	sne.s32 s26, s9;
	_ =	swait.ge [sflag:s23], $0x4C00  }
.Ltmp1:
0x16: {  	[sflag:s23] =	ssyncset.done $0x0;
	(pc) =	sbr.rel @!p0 .LBB2_11-.Ltmp1, $4  }
0x17: {  	[sflag:s23] =	ssyncadd.s32 $0xFFFFB400  }
0x18: {  	_ =	swait.ge [sflag:s17], $0xA000  }
0x19: {  	[sflag:s17] =	ssyncset.done $0x0  }
0x1a: {  	[sflag:s17] =	ssyncadd.s32 $0xFFFF6000  }
.LBB2_1:
0x1b: {  	[tilespmem:s10], [sflag:$0x9] =	stream.linear.gather [hbm4b:s5+s3], $0xA000, $0x38;
	[tilespmem:$0x1F780] =	vst v63  }
0x1c: {  	_ = 	snop  }
0x1d: {  	[tilespmem:s3], [sflag:$0xA] =	stream.strided.gather [hbm4b:s6+s11], $0x2780, s12, s11, $0x38;
	[tilespmem:$0x1F780] =	vst v63  }
0x1e: {  	_ =	swait.ge [sflag:s13], $0x2780  }
0x1f: {  	[sflag:s13] =	ssyncset.done $0x0  }
0x20: {  	[sflag:s13] =	ssyncadd.s32 $0xFFFFD880  }
0x21: {  	[tilespmem:s15], [sflag:$0x1] =	stream.indirect.gather [hbm4b:s4+s14], $0x80, s3, s14, $0xb8;
	[tilespmem:$0x1F780] =	vst v63  }
0x22: {  	_ = 	snop  }
0x23: {  	[tilespmem:s16], [sflag:$0x2] =	stream.indirect.gather [hbm4b:s4+s14], $0x80, s14, s14, $0xb8;
	[tilespmem:$0x1F780] =	vst v63  }
.Ltmp2:
0x24: {  	_ = 	snop;
	(pc) =	sbr.rel .LBB2_2-.Ltmp2, $4  }
0x25: {  	_ =	swait.ge [sflag:s17], $0xA000  }
0x26: {  	[sflag:s17] =	ssyncset.done $0x0  }
0x27: {  	s28 =	simm.s32 $0x0;
	s29 =	simm.s32 $0x0;
	[sflag:s17] =	ssyncadd.s32 $0xFFFF6000  }
0x28: {  	[hbm4b:s8+s3] =	stream.linear.scatter [tilespmem:s10], [sflag:$0x9], $0xA000, $0x38;
	[tilespmem:$0x1F780] =	vst v63  }
.LBB2_8:
0x29: {  	s30 =	simm.s32 @!p0 $0x6  }
0x2a: {  	_ =	swait.ge @!p0 [sflag:s30], $0x4C00  }
0x2b: {  	p1 =	por p0, !p1;
	[sflag:s30] =	ssyncset.done @!p0 $0x0  }
0x2c: {  	[sflag:s30] =	ssyncadd.s32 @!p0 $0xFFFFB400;
	s30 =	smin.u32 @p1 s28, $0x2548  }
0x2d: {  	s31 =	smin.u32 s28, $0x2678;
	s30 =	sadd.s32 @p1 $0x130, s30  }
0x2e: {  	[tilespmem:s16], [sflag:$0x2] =	stream.indirect.gather @p1 [hbm4b:s4+s14], $0x80, s30, s14, $0xb8;
	[tilespmem:$0x1F780] =	vst v63  }
0x2f: {  	s30 =	sadd.s32 s7, s31;
	_ =	swait.ge [sflag:s25], $0x4C00  }
0x30: {  	s30 =	sshll.u32 s30, $0x4;
	[sflag:s25] =	ssyncset.done $0x0  }
0x31: {  	s30 =	sadd.s32 s2, s30;
	[sflag:s25] =	ssyncadd.s32 $0xFFFFB400  }
0x32: {  	[hbm4b:s30+s3] =	stream.linear.scatter [tilespmem:s20], [sflag:$0x8], $0x4C00, $0x38;
	[tilespmem:$0x1F780] =	vst v63  }
.LBB2_9:
0x33: {  	s29 =	sadd.s32 $0x1, s29  }
0x34: {  	p0 =	sne.s32 s29, $0x42  }
.Ltmp3:
0x35: {  	_ = 	snop;
	(pc) =	sbr.rel @!p0 .LBB2_10-.Ltmp3, $2  }
0x36: {  	_ =	sdelay $0x2  }
0x37: {  	s28 =	sadd.s32 $0x98, s28  }
.LBB2_2:
0x38: {  	s30 =	sand.u32 $0x3, s29  }
0x39: {  	p0 =	sgt.s32 s30, $0x1  }
.Ltmp4:
0x3a: {  	_ = 	snop;
	(pc) =	sbr.rel @p0 .LBB2_7-.Ltmp4, $1  }
0x3b: {  	_ =	sdelay $0x3  }
0x3c: {  	p0 =	seq.s32 s30, $0x0  }
.Ltmp5:
0x3d: {  	_ = 	snop;
	(pc) =	sbr.rel @!p0 .LBB2_5-.Ltmp5, $1  }
0x3e: {  	_ =	sdelay $0x3  }
0x3f: {  	p0 =	slt.u32 s29, $0x2  }
0x40: {  	s30 =	simm.s32 @!p0 $0x7  }
0x41: {  	p1 =	sgt.u32 @!p0 s29, $0x3F;
	_ =	swait.ge @!p0 [sflag:s30], $0x4C00  }
0x42: {  	p1 =	por p0, !p1;
	[sflag:s30] =	ssyncset.done @!p0 $0x0  }
0x43: {  	[sflag:s30] =	ssyncadd.s32 @!p0 $0xFFFFB400;
	s30 =	smin.u32 @p1 s28, $0x2548  }
0x44: {  	s30 =	sadd.s32 @p1 $0x130, s30  }
0x45: {  	[tilespmem:s18], [sflag:$0x3] =	stream.indirect.gather @p1 [hbm4b:s4+s14], $0x80, s30, s14, $0xb8;
	[tilespmem:$0x1F780] =	vst v63  }
.Ltmp6:
0x46: {  	s31 =	smin.u32 s28, $0x2678;
	(pc) =	sbr.rel .LBB2_9-.Ltmp6, $4  }
0x47: {  	s30 =	sadd.s32 s7, s31;
	_ =	swait.ge [sflag:s19], $0x4C00  }
0x48: {  	s30 =	sshll.u32 s30, $0x4;
	[sflag:s19] =	ssyncset.done $0x0  }
0x49: {  	s30 =	sadd.s32 s2, s30;
	[sflag:s19] =	ssyncadd.s32 $0xFFFFB400  }
0x4a: {  	[hbm4b:s30+s3] =	stream.linear.scatter [tilespmem:s15], [sflag:$0x5], $0x4C00, $0x38;
	[tilespmem:$0x1F780] =	vst v63  }
.LBB2_7:
0x4b: {  	p2 =	seq.s32 s30, $0x2  }
.Ltmp7:
0x4c: {  	_ = 	snop;
	(pc) =	sbr.rel @!p2 .LBB2_8-.Ltmp7, $3  }
0x4d: {  	_ =	sdelay $0x1  }
0x4e: {  	p0 =	slt.u32 s29, $0x2  }
0x4f: {  	p1 =	sgt.u32 @!p0 s29, $0x3F  }
0x50: {  	s30 =	simm.s32 @!p0 $0x5  }
0x51: {  	_ =	swait.ge @!p0 [sflag:s30], $0x4C00  }
0x52: {  	p1 =	por p0, !p1;
	[sflag:s30] =	ssyncset.done @!p0 $0x0  }
0x53: {  	[sflag:s30] =	ssyncadd.s32 @!p0 $0xFFFFB400;
	s30 =	smin.u32 @p1 s28, $0x2548  }
0x54: {  	s30 =	sadd.s32 @p1 $0x130, s30  }
0x55: {  	[tilespmem:s15], [sflag:$0x1] =	stream.indirect.gather @p1 [hbm4b:s4+s14], $0x80, s30, s14, $0xb8;
	[tilespmem:$0x1F780] =	vst v63  }
.Ltmp8:
0x56: {  	s31 =	smin.u32 s28, $0x2678;
	(pc) =	sbr.rel .LBB2_9-.Ltmp8, $4  }
0x57: {  	s30 =	sadd.s32 s7, s31;
	_ =	swait.ge [sflag:s24], $0x4C00  }
0x58: {  	s30 =	sshll.u32 s30, $0x4;
	[sflag:s24] =	ssyncset.done $0x0  }
0x59: {  	s30 =	sadd.s32 s2, s30;
	[sflag:s24] =	ssyncadd.s32 $0xFFFFB400  }
0x5a: {  	[hbm4b:s30+s3] =	stream.linear.scatter [tilespmem:s18], [sflag:$0x7], $0x4C00, $0x38;
	[tilespmem:$0x1F780] =	vst v63  }
.LBB2_5:
0x5b: {  	p0 =	slt.u32 s29, $0x2  }
0x5c: {  	s30 =	simm.s32 @!p0 $0x8  }
0x5d: {  	p1 =	sgt.u32 @!p0 s29, $0x3F;
	_ =	swait.ge @!p0 [sflag:s30], $0x4C00  }
0x5e: {  	p1 =	por p0, !p1;
	[sflag:s30] =	ssyncset.done @!p0 $0x0  }
0x5f: {  	[sflag:s30] =	ssyncadd.s32 @!p0 $0xFFFFB400;
	s30 =	smin.u32 @p1 s28, $0x2548  }
0x60: {  	s30 =	sadd.s32 @p1 $0x130, s30  }
0x61: {  	[tilespmem:s20], [sflag:$0x4] =	stream.indirect.gather @p1 [hbm4b:s4+s14], $0x80, s30, s14, $0xb8;
	[tilespmem:$0x1F780] =	vst v63  }
.Ltmp9:
0x62: {  	s31 =	smin.u32 s28, $0x2678;
	(pc) =	sbr.rel .LBB2_9-.Ltmp9, $4  }
0x63: {  	s30 =	sadd.s32 s7, s31;
	_ =	swait.ge [sflag:s21], $0x4C00  }
0x64: {  	s30 =	sshll.u32 s30, $0x4;
	[sflag:s21] =	ssyncset.done $0x0  }
0x65: {  	s30 =	sadd.s32 s2, s30;
	[sflag:s21] =	ssyncadd.s32 $0xFFFFB400  }
0x66: {  	[hbm4b:s30+s3] =	stream.linear.scatter [tilespmem:s16], [sflag:$0x6], $0x4C00, $0x38;
	[tilespmem:$0x1F780] =	vst v63  }
.LBB2_11:
0x67: {  	_ =	sfence.sel $0x180000  }
0x68: {  	[bflag:$0x0] =	sbarrier.arrive $0xFFFF  }
0x69: {  	p0 =	sne.s32 s0, $0x0;
	_ =	strace $0x90000047  }
0x6a: {  	s0 =	sadd.s32 @!p0 $0x100000, s1;
	[bflag:$0x2] =	sbarrier.arrive $0xFFFF  }
0x6b: {  	[sflag:s0] =	ssyncadd.tile.s32 @!p0 $0x1;
	_ =	shalt  }
.Lfunc_end2:
_tile_overlayer_lowered:
.L_overlay_start_2:
0x6c: {  	(tag) =	ssettag $0x2  }
0x6d: {  	s0 =	rddreg [dreg:$0x0];
	s2 =	stileid.u32  }
0x6e: {  	s1 =	rddreg [dreg:$0x1];
	p0 =	sne.s32 s2, $0x0  }
0x6f: {  	s3 =	rddreg [dreg:$0x2];
	[bflag:$0x3] =	sbarrier.arrive $0xFFFF;
	s2 =	simm.s32 @!p0 $0x1C0A  }
0x70: {  	[timem:s3], [sflag:s2] =	dma.local @!p0 [hbm:s0], s1  }
0x71: {  	s0 =	simm.s32 @!p0 $0xA  }
0x72: {  	_ =	swait.ge @!p0 [sflag:s0], s1  }
0x73: {  	s1 =	ssub.s32 @!p0 $0x0, s1;
	[sflag:s0] =	ssyncset.done @!p0 $0x0  }
0x74: {  	[sflag:s0] =	ssyncadd.s32 @!p0 s1  }
0x75: {  	[bflag:$0x3] =	sbarrier.arrive $0xFFFF  }
0x76: {  	_ =	shalt  }

</sc_bundles>
